<compile_context>
chip_gen: v7x
topology: tpu7x:2x2x1
jax: 0.10.2.dev20260603
libtpu: 0.0.44.dev20260713+nightly
codegen_flags: <defaults>
</compile_context>

<pallas_src>
import functools

import jax
import jax.numpy as jnp
from jax import lax
from jax.experimental import pallas as pl
from jax.experimental.pallas import tpu as pltpu
from jax.experimental.pallas import tpu_sc as plsc

_N = 10000
_G = 64
_D = 48
_NW = 32
_CHUNK = 384
_P = 64
_AROWS = _G + 2
_AFLAT = _AROWS * _P

_sc_mesh = plsc.VectorSubcoreMesh(core_axis_name="c", subcore_axis_name="s")


@functools.partial(
    pl.kernel,
    out_type=jax.ShapeDtypeStruct((_NW, _AROWS, _P), jnp.float32),
    mesh=_sc_mesh,
    scratch_types=[
        pltpu.VMEM((_D, _CHUNK), jnp.float32),
        pltpu.VMEM((_D * _CHUNK,), jnp.float32),
        pltpu.VMEM((_N + 16,), jnp.int32),
        pltpu.VMEM((_AROWS, _P), jnp.float32),
    ],
    compiler_params=pltpu.CompilerParams(needs_layout_passes=False),
)
def _sc_segsum(xt_hbm, b_hbm, out_hbm, x_v, xu_v, b_v, acc_v):
    wid = lax.axis_index("c") * 16 + lax.axis_index("s")
    base = 128 * jnp.minimum(3 * wid, 76)
    end = jnp.minimum(_CHUNK, _N - base)
    start = jnp.clip(_CHUNK * wid - base, 0, end)

    pltpu.sync_copy(xt_hbm.at[:, pl.ds(base, _CHUNK)], x_v)
    pltpu.sync_copy(b_hbm, b_v.at[pl.ds(0, _N)])

    lane = lax.iota(jnp.int32, 16)
    zeros16 = jnp.zeros((16,), jnp.float32)
    one0 = jnp.where(lane == 0, 1.0, 0.0).astype(jnp.float32)
    d0 = lane
    d1 = lane + 16
    d2 = lane + 32

    def _zero(j, _):
        for k in range(_P // 16):
            acc_v[j, pl.ds(16 * k, 16)] = zeros16
        return 0
    lax.fori_loop(0, _AROWS, _zero, 0)

    def _retile_d(d, _):
        def _retile_c(cc, _2):
            v = x_v[d, pl.ds(pl.multiple_of(cc * 16, 16), 16)]
            xu_v[pl.ds(d * _CHUNK + cc * 16, 16)] = v
            return 0
        lax.fori_loop(0, _CHUNK // 16, _retile_c, 0)
        return 0
    lax.fori_loop(0, _D, _retile_d, 0)

    def _row(r, carry):
        sq0, sq1, sq2 = carry
        g = b_v[pl.ds(base + r, 16)][0]
        g_vec = lane * 0 + g
        col = lane * 0 + r
        v0 = plsc.load_gather(xu_v, [d0 * _CHUNK + col])
        v1 = plsc.load_gather(xu_v, [d1 * _CHUNK + col])
        v2 = plsc.load_gather(xu_v, [d2 * _CHUNK + col])
        plsc.addupdate_scatter(acc_v, [g_vec, d0], v0)
        plsc.addupdate_scatter(acc_v, [g_vec, d1], v1)
        plsc.addupdate_scatter(acc_v, [g_vec, d2], v2)
        plsc.addupdate_scatter(acc_v, [g_vec, lane + 48], one0)
        return (sq0 + v0 * v0, sq1 + v1 * v1, sq2 + v2 * v2)

    sq0, sq1, sq2 = lax.fori_loop(
        start, end, _row, (zeros16, zeros16, zeros16))

    acc_v[_G + 1, pl.ds(0, 16)] = sq0
    acc_v[_G + 1, pl.ds(16, 16)] = sq1
    acc_v[_G + 1, pl.ds(32, 16)] = sq2

    pltpu.sync_copy(acc_v, out_hbm.at[wid])


def _tc_final_body(acc_ref, g_ref, be_ref, w2a_ref, b2a_ref, w2b_ref,
                   b2b_ref, w2c_ref, b2c_ref, w2d_ref, b2d_ref, wo_row_ref,
                   bo_ref, out_ref):
    acc = jnp.sum(acc_ref[:, :, :], axis=0)
    n = jnp.float32(_N)

    sums = acc[:_G, :_D]
    cnt = acc[:_G, _D:_D + 1]
    colsq = acc[_G + 1:_G + 2, :_D]
    colsum = jnp.sum(sums, axis=0, keepdims=True)
    mu = colsum / n
    var = colsq / n - mu * mu
    inv = jax.lax.rsqrt(var + 1e-5)

    gamma = g_ref[:]
    beta = be_ref[:]
    seg_bn = (sums - cnt * mu) * (inv * gamma) + cnt * beta
    x3 = seg_bn / jnp.maximum(cnt, 1.0)

    def mm(a, w_ref, bias_ref):
        return jax.lax.dot_general(
            a, w_ref[:, :], (((1,), (0,)), ((), ())),
            preferred_element_type=jnp.float32) + bias_ref[:]

    h = jnp.maximum(mm(x3, w2a_ref, b2a_ref), 0.0)
    h = jnp.maximum(mm(h, w2b_ref, b2b_ref), 0.0)
    h = jnp.maximum(mm(h, w2c_ref, b2c_ref), 0.0)
    h = mm(h, w2d_ref, b2d_ref)
    out_t = jax.lax.dot_general(h, wo_row_ref[:, :], (((1,), (1,)), ((), ())),
                                preferred_element_type=jnp.float32)
    out_ref[:, :] = out_t.reshape(1, _G) + bo_ref[:]


@jax.jit
def _fused(XT, batch, bn_gamma, bn_beta, W2a, b2a, W2b, b2b, W2c, b2c,
           W2d, b2d, Wo_row, bo):
    acc = _sc_segsum(XT, batch)
    out_t = pl.pallas_call(
        _tc_final_body,
        out_shape=jax.ShapeDtypeStruct((1, _G), jnp.float32),
    )(acc, bn_gamma, bn_beta, W2a, b2a, W2b, b2b, W2c, b2c,
      W2d, b2d, Wo_row, bo)
    return out_t.reshape(_G, 1)


def kernel(X, edge_index, batch, bn_gamma, bn_beta, W1a, b1a, W1b, b1b,
           W1c, b1c, Wc1, bc1, cn_gamma, cn_beta, Wc2, bc2, t,
           W2a, b2a, W2b, b2b, W2c, b2c, W2d, b2d, Wo, bo):
    return _fused(
        X.T,
        batch,
        bn_gamma, bn_beta,
        W2a, b2a, W2b, b2b, W2c, b2c, W2d, b2d, Wo.T, bo,
    )

# --- scband reference (transcript-rebuilt; emitter-appended) ---
"""Pipeline reference for scband-genconv-classifier-63419487092761 (READ-ONLY COPY).

The authoritative reference and input builder live on the scoring server;
editing this copy changes nothing except your own understanding.
"""

import jax, jax.numpy as jnp
import numpy as np

N = 10000
E = 320000
G = 64
D_IN = 48
W = 128
EPS = 1e-7


def _lin(k, fin, fout):
    k1, k2 = jax.random.split(k)
    bound = 1.0 / np.sqrt(fin)
    w = jax.random.uniform(k1, (fin, fout), minval=-bound, maxval=bound, dtype=jnp.float32)
    b = jax.random.uniform(k2, (fout,), minval=-bound, maxval=bound, dtype=jnp.float32)
    return w, b


def setup_inputs(seed: int = 0):
    key = jax.random.key(seed)
    ks = jax.random.split(key, 16)
    inp = {}
    inp['X'] = jax.random.normal(ks[0], (N, D_IN), dtype=jnp.float32)
    inp['edge_index'] = jax.random.randint(ks[1], (2, E), 0, N, dtype=jnp.int32)
    inp['batch'] = jnp.sort(jax.random.randint(ks[2], (N,), 0, G, dtype=jnp.int32))
    inp['bn_gamma'] = jnp.ones((D_IN,), jnp.float32)
    inp['bn_beta'] = jnp.zeros((D_IN,), jnp.float32)
    inp['W1a'], inp['b1a'] = _lin(ks[3], D_IN, W)
    inp['W1b'], inp['b1b'] = _lin(ks[4], W, W)
    inp['W1c'], inp['b1c'] = _lin(ks[5], W, W)
    inp['Wc1'], inp['bc1'] = _lin(ks[6], W, 2 * W)
    inp['cn_gamma'] = jnp.ones((2 * W,), jnp.float32)
    inp['cn_beta'] = jnp.zeros((2 * W,), jnp.float32)
    inp['Wc2'], inp['bc2'] = _lin(ks[7], 2 * W, W)
    inp['t'] = jnp.array(1.0, jnp.float32)
    inp['W2a'], inp['b2a'] = _lin(ks[8], D_IN, W)
    inp['W2b'], inp['b2b'] = _lin(ks[9], W, W)
    inp['W2c'], inp['b2c'] = _lin(ks[10], W, W)
    inp['W2d'], inp['b2d'] = _lin(ks[11], W, W)
    inp['Wo'], inp['bo'] = _lin(ks[12], W, 1)
    return inp


def _batchnorm(x, g, b):
    mu = jnp.mean(x, axis=0, keepdims=True)
    var = jnp.var(x, axis=0, keepdims=True)
    return g * (x - mu) / jnp.sqrt(var + 1e-5) + b


def _forward(X, edge_index, batch, bn_gamma, bn_beta, W1a, b1a, W1b, b1b, W1c, b1c,
             Wc1, bc1, cn_gamma, cn_beta, Wc2, bc2, t,
             W2a, b2a, W2b, b2b, W2c, b2c, W2d, b2d, Wo, bo):
    # self.bn(X): BatchNorm1d in training mode (batch statistics)
    x = _batchnorm(X, bn_gamma, bn_beta)

    # nn1: ReLU, Linear(48,128), ReLU, Linear(128,128), ReLU, Linear(128,128)
    h = jax.nn.relu(x)
    h = jax.nn.relu(h @ W1a + b1a)
    h = jax.nn.relu(h @ W1b + b1b)
    x1 = h @ W1c + b1c

    # GENConv(width, width, num_layers=2, t=1, learn_t=True): softmax aggregation
    src = edge_index[0]
    dst = edge_index[1]
    msg = jax.nn.relu(x1[src]) + EPS
    st = msg * t
    m = jax.ops.segment_max(st, dst, num_segments=N)
    m = jnp.where(jnp.isfinite(m), m, 0.0)
    ex = jnp.exp(st - m[dst])
    den = jax.ops.segment_sum(ex, dst, num_segments=N)
    alpha = ex / (den[dst] + 1e-16)
    aggr = jax.ops.segment_sum(msg * alpha, dst, num_segments=N)
    h2 = x1 + aggr
    # GENConv internal MLP channels [128, 256, 128]: Linear -> BatchNorm -> ReLU -> Linear
    h2 = h2 @ Wc1 + bc1
    h2 = _batchnorm(h2, cn_gamma, cn_beta)
    h2 = jax.nn.relu(h2)
    x2 = h2 @ Wc2 + bc2  # computed in the original forward but not used in the output

    # x3 = scatter_mean(x, batch, dim=0)
    sums = jax.ops.segment_sum(x, batch, num_segments=G)
    cnt = jax.ops.segment_sum(jnp.ones((N,), jnp.float32), batch, num_segments=G)
    x3 = sums / jnp.maximum(cnt, 1.0)[:, None]

    # nn2: Linear(48,128), ReLU, Linear, ReLU, Linear, ReLU, Linear
    h3 = jax.nn.relu(x3 @ W2a + b2a)
    h3 = jax.nn.relu(h3 @ W2b + b2b)
    h3 = jax.nn.relu(h3 @ W2c + b2c)
    h3 = h3 @ W2d + b2d
    out = h3 @ Wo + bo
    return out


def reference(X, edge_index, batch, bn_gamma, bn_beta, W1a, b1a, W1b, b1b, W1c, b1c,
              Wc1, bc1, cn_gamma, cn_beta, Wc2, bc2, t,
              W2a, b2a, W2b, b2b, W2c, b2c, W2d, b2d, Wo, bo):
    return _forward(X, edge_index, batch, bn_gamma, bn_beta, W1a, b1a, W1b, b1b, W1c, b1c,
                    Wc1, bc1, cn_gamma, cn_beta, Wc2, bc2, t,
                    W2a, b2a, W2b, b2b, W2c, b2c, W2d, b2d, Wo, bo)

if __name__ == "__main__":
    import jax
    _d = setup_inputs()
    print(jax.jit(kernel)(*tuple(_d.values())))

</pallas_src>

<mosaic_0001>
#map = affine_map<(d0, d1) -> (0, 0)>
#map1 = affine_map<(d0, d1) -> (0)>
#map2 = affine_map<(d0, d1) -> (0, 0, 0)>
module attributes {stable_mosaic.version = 14 : i64} {
  func.func @_sc_segsum(%arg0: i32, %arg1: i32, %arg2: memref<48x10000xf32, #tpu.memory_space<hbm>>, %arg3: memref<10000xi32, #tpu.memory_space<hbm>>, %arg4: memref<32x66x64xf32, #tpu.memory_space<hbm>>, %arg5: memref<48x384xf32, #tpu.memory_space<vmem>>, %arg6: memref<18432xf32, #tpu.memory_space<vmem>>, %arg7: memref<10016xi32, #tpu.memory_space<vmem>>, %arg8: memref<66x64xf32, #tpu.memory_space<vmem>>) attributes {dimension_semantics = [#tpu.dimension_semantics<core_parallel>, #tpu.dimension_semantics<subcore_parallel>], iteration_bounds = array<i64: 2, 16>, scalar_prefetch = 0 : i64, scratch_operands = 4 : i64, tpu.core_type = #tpu.core_type<sc_vector_subcore>, window_params = [{transform_indices = #map}, {transform_indices = #map1}, {transform_indices = #map2}]} {
    %mul3A = arith.constant 16 : i32
    %mul3A_0 = arith.muli %arg0, %mul3A : i32
    %add3A = arith.addi %mul3A_0, %arg1 : i32
    %mul3A_1 = arith.constant 3 : i32
    %mul3A_2 = arith.muli %mul3A_1, %add3A : i32
    %min3A = arith.constant 76 : i32
    %min3A_3 = arith.minsi %mul3A_2, %min3A : i32
    %mul3A_4 = arith.constant 128 : i32
    %mul3A_5 = arith.muli %mul3A_4, %min3A_3 : i32
    %sub3A = arith.constant 10000 : i32
    %sub3A_6 = arith.subi %sub3A, %mul3A_5 : i32
    %min3A_7 = arith.constant 384 : i32
    %min3A_8 = arith.minsi %min3A_7, %sub3A_6 : i32
    %mul3A_9 = arith.constant 384 : i32
    %mul3A_10 = arith.muli %mul3A_9, %add3A : i32
    %sub3A_11 = arith.subi %mul3A_10, %mul3A_5 : i32
    %jit3A = arith.constant 0 : i32
    %max3A = arith.maxsi %jit3A, %sub3A_11 : i32
    %min3A_12 = arith.minsi %min3A_8, %max3A : i32
    "tpu.region"() ({
      %run_scoped3A = tpu.sem_alloc : memref<!tpu.dma_semaphore, #tpu.memory_space<semaphore_mem>>
      %dma_start3A = arith.constant 0 : i32
      %dma_start3A_59 = tpu.memref_slice %arg2[%dma_start3A, %mul3A_5] : memref<48x10000xf32, #tpu.memory_space<hbm>> -> memref<48x384xf32, #tpu.memory_space<hbm>>
      %dma_start3A_60 = arith.constant 0 : i32
      %dma_start3A_61 = tpu.memref_slice %arg2[%dma_start3A_60, %mul3A_5] : memref<48x10000xf32, #tpu.memory_space<hbm>> -> memref<48x384xf32, #tpu.memory_space<hbm>>
      tpu.enqueue_dma source(%dma_start3A_61 : memref<48x384xf32, #tpu.memory_space<hbm>>) target(%arg5 : memref<48x384xf32, #tpu.memory_space<vmem>>) target_semaphore(%run_scoped3A : memref<!tpu.dma_semaphore, #tpu.memory_space<semaphore_mem>>)
      %dma_wait3A = arith.constant 0 : i32
      %dma_wait3A_62 = tpu.memref_slice %arg2[%dma_wait3A, %mul3A_5] : memref<48x10000xf32, #tpu.memory_space<hbm>> -> memref<48x384xf32, #tpu.memory_space<hbm>>
      %dma_wait3A_63 = arith.constant 0 : i32
      %dma_wait3A_64 = tpu.memref_slice %arg2[%dma_wait3A_63, %mul3A_5] : memref<48x10000xf32, #tpu.memory_space<hbm>> -> memref<48x384xf32, #tpu.memory_space<hbm>>
      tpu.wait_dma2 semaphore(%run_scoped3A : memref<!tpu.dma_semaphore, #tpu.memory_space<semaphore_mem>>) src(%dma_wait3A_64 : memref<48x384xf32, #tpu.memory_space<hbm>>) dst(%arg5 : memref<48x384xf32, #tpu.memory_space<vmem>>)
      tpu.yield
    }) : () -> ()
    "tpu.region"() ({
      %run_scoped3A = tpu.sem_alloc : memref<!tpu.dma_semaphore, #tpu.memory_space<semaphore_mem>>
      %dma_start3A = arith.constant 0 : i32
      %dma_start3A_59 = tpu.memref_slice %arg7[%dma_start3A] : memref<10016xi32, #tpu.memory_space<vmem>> -> memref<10000xi32, #tpu.memory_space<vmem>>
      %dma_start3A_60 = arith.constant 0 : i32
      %dma_start3A_61 = tpu.memref_slice %arg7[%dma_start3A_60] : memref<10016xi32, #tpu.memory_space<vmem>> -> memref<10000xi32, #tpu.memory_space<vmem>>
      tpu.enqueue_dma source(%arg3 : memref<10000xi32, #tpu.memory_space<hbm>>) target(%dma_start3A_61 : memref<10000xi32, #tpu.memory_space<vmem>>) target_semaphore(%run_scoped3A : memref<!tpu.dma_semaphore, #tpu.memory_space<semaphore_mem>>)
      %dma_wait3A = arith.constant 0 : i32
      %dma_wait3A_62 = tpu.memref_slice %arg7[%dma_wait3A] : memref<10016xi32, #tpu.memory_space<vmem>> -> memref<10000xi32, #tpu.memory_space<vmem>>
      %dma_wait3A_63 = arith.constant 0 : i32
      %dma_wait3A_64 = tpu.memref_slice %arg7[%dma_wait3A_63] : memref<10016xi32, #tpu.memory_space<vmem>> -> memref<10000xi32, #tpu.memory_space<vmem>>
      tpu.wait_dma2 semaphore(%run_scoped3A : memref<!tpu.dma_semaphore, #tpu.memory_space<semaphore_mem>>) src(%arg3 : memref<10000xi32, #tpu.memory_space<hbm>>) dst(%dma_wait3A_64 : memref<10000xi32, #tpu.memory_space<vmem>>)
      tpu.yield
    }) : () -> ()
    %iota3A = tpu.iota {dimensions = array<i32: 0>} : vector<16xi32>
    %broadcast_in_dim3A = arith.constant 0.000000e+00 : f32
    %broadcast_in_dim3A_13 = vector.broadcast %broadcast_in_dim3A : f32 to vector<16xf32>
    %eq3A = arith.constant 0 : i32
    %eq3A_14 = vector.broadcast %eq3A : i32 to vector<16xi32>
    %eq3A_15 = arith.cmpi eq, %iota3A, %eq3A_14 : vector<16xi32>
    %jit3A_16 = arith.constant 1.000000e+00 : f32
    %jit3A_17 = arith.constant 0.000000e+00 : f32
    %broadcast_in_dim3A_18 = vector.broadcast %jit3A_16 : f32 to vector<16xf32>
    %broadcast_in_dim3A_19 = vector.broadcast %jit3A_17 : f32 to vector<16xf32>
    %select_n3A = arith.select %eq3A_15, %broadcast_in_dim3A_18, %broadcast_in_dim3A_19 : vector<16xi1>, vector<16xf32>
    %add3A_20 = arith.constant 16 : i32
    %add3A_21 = vector.broadcast %add3A_20 : i32 to vector<16xi32>
    %add3A_22 = arith.addi %iota3A, %add3A_21 : vector<16xi32>
    %add3A_23 = arith.constant 32 : i32
    %add3A_24 = vector.broadcast %add3A_23 : i32 to vector<16xi32>
    %add3A_25 = arith.addi %iota3A, %add3A_24 : vector<16xi32>
    %scan3A = arith.constant 0 : i32
    %scan3A_26 = arith.constant 0 : i32
    %scan3A_27 = arith.constant 66 : i32
    %scan3A_28 = arith.addi %scan3A_26, %scan3A_27 : i32
    %scan3A_29 = arith.constant 1 : i32
    %scan3A_30 = scf.for %scan3A_59 = %scan3A_26 to %scan3A_28 step %scan3A_29 iter_args(%scan3A_60 = %scan3A) -> (i32)  : i32 {
      %swap3A_61 = arith.index_cast %scan3A_59 : i32 to index
      %swap3A_62 = arith.constant 0 : index
      %swap3A_63 = tpu.vector_load %arg8[%swap3A_61, %swap3A_62] {strides = array<i32>} : memref<66x64xf32, #tpu.memory_space<vmem>>, vector<16xf32>,
      tpu.vector_store %arg8[%swap3A_61, %swap3A_62], %broadcast_in_dim3A_13 {strides = array<i32>} : memref<66x64xf32, #tpu.memory_space<vmem>>, vector<16xf32>,
      %swap3A_64 = arith.index_cast %scan3A_59 : i32 to index
      %swap3A_65 = arith.constant 16 : index
      %swap3A_66 = tpu.vector_load %arg8[%swap3A_64, %swap3A_65] {strides = array<i32>} : memref<66x64xf32, #tpu.memory_space<vmem>>, vector<16xf32>,
      tpu.vector_store %arg8[%swap3A_64, %swap3A_65], %broadcast_in_dim3A_13 {strides = array<i32>} : memref<66x64xf32, #tpu.memory_space<vmem>>, vector<16xf32>,
      %swap3A_67 = arith.index_cast %scan3A_59 : i32 to index
      %swap3A_68 = arith.constant 32 : index
      %swap3A_69 = tpu.vector_load %arg8[%swap3A_67, %swap3A_68] {strides = array<i32>} : memref<66x64xf32, #tpu.memory_space<vmem>>, vector<16xf32>,
      tpu.vector_store %arg8[%swap3A_67, %swap3A_68], %broadcast_in_dim3A_13 {strides = array<i32>} : memref<66x64xf32, #tpu.memory_space<vmem>>, vector<16xf32>,
      %swap3A_70 = arith.index_cast %scan3A_59 : i32 to index
      %swap3A_71 = arith.constant 48 : index
      %swap3A_72 = tpu.vector_load %arg8[%swap3A_70, %swap3A_71] {strides = array<i32>} : memref<66x64xf32, #tpu.memory_space<vmem>>, vector<16xf32>,
      tpu.vector_store %arg8[%swap3A_70, %swap3A_71], %broadcast_in_dim3A_13 {strides = array<i32>} : memref<66x64xf32, #tpu.memory_space<vmem>>, vector<16xf32>,
      %scan3A_73 = arith.constant 0 : i32
      scf.yield %scan3A_73 : i32
    }
    %scan3A_31 = arith.constant 66 : i32
    %scan3A_32 = arith.constant 0 : i32
    %scan3A_33 = arith.constant 0 : i32
    %scan3A_34 = arith.constant 48 : i32
    %scan3A_35 = arith.addi %scan3A_33, %scan3A_34 : i32
    %scan3A_36 = arith.constant 1 : i32
    %scan3A_37 = scf.for %scan3A_59 = %scan3A_33 to %scan3A_35 step %scan3A_36 iter_args(%scan3A_60 = %scan3A_32) -> (i32)  : i32 {
      %scan3A_61 = arith.constant 0 : i32
      %scan3A_62 = arith.constant 0 : i32
      %scan3A_63 = arith.constant 24 : i32
      %scan3A_64 = arith.addi %scan3A_62, %scan3A_63 : i32
      %scan3A_65 = arith.constant 1 : i32
      %scan3A_66 = scf.for %scan3A_69 = %scan3A_62 to %scan3A_64 step %scan3A_65 iter_args(%scan3A_70 = %scan3A_61) -> (i32)  : i32 {
        %mul3A_71 = arith.constant 16 : i32
        %mul3A_72 = arith.muli %scan3A_69, %mul3A_71 : i32
        %multiple_of3A = tpu.assume_multiple %mul3A_72, 16 : i32
        %get3A = arith.index_cast %scan3A_59 : i32 to index
        %get3A_73 = arith.index_cast %multiple_of3A : i32 to index
        %get3A_74 = tpu.vector_load %arg5[%get3A, %get3A_73] {strides = array<i32>} : memref<48x384xf32, #tpu.memory_space<vmem>>, vector<16xf32>,
        %mul3A_75 = arith.constant 384 : i32
        %mul3A_76 = arith.muli %scan3A_59, %mul3A_75 : i32
        %mul3A_77 = arith.constant 16 : i32
        %mul3A_78 = arith.muli %scan3A_69, %mul3A_77 : i32
        %add3A_79 = arith.addi %mul3A_76, %mul3A_78 : i32
        %swap3A_80 = arith.index_cast %add3A_79 : i32 to index
        %swap3A_81 = tpu.vector_load %arg6[%swap3A_80] {strides = array<i32>} : memref<18432xf32, #tpu.memory_space<vmem>>, vector<16xf32>,
        tpu.vector_store %arg6[%swap3A_80], %get3A_74 {strides = array<i32>} : memref<18432xf32, #tpu.memory_space<vmem>>, vector<16xf32>,
        %scan3A_82 = arith.constant 0 : i32
        scf.yield %scan3A_82 : i32
      }
      %scan3A_67 = arith.constant 24 : i32
      %scan3A_68 = arith.constant 0 : i32
      scf.yield %scan3A_68 : i32
    }
    %scan3A_38 = arith.constant 48 : i32
    %while3A = arith.subi %min3A_8, %min3A_12 : i32
    %while3A_39 = arith.addi %min3A_12, %while3A : i32
    %while3A_40 = arith.constant 1 : i32
    %while3A_41 = arith.divsi %while3A, %while3A_40 : i32
    %while3A_42 = arith.muli %while3A_41, %while3A_40 : i32
    %while3A_43 = arith.addi %min3A_12, %while3A_42 : i32
    %while3A_44 = arith.constant 1 : i32
    %while3A_45:3 = scf.for %while3A_59 = %min3A_12 to %while3A_43 step %while3A_44 iter_args(%while3A_60 = %broadcast_in_dim3A_13, %while3A_61 = %broadcast_in_dim3A_13, %while3A_62 = %broadcast_in_dim3A_13) -> (vector<16xf32>, vector<16xf32>, vector<16xf32>)  : i32 {
      %add3A_63 = arith.addi %mul3A_5, %while3A_59 : i32
      %get3A = arith.index_cast %add3A_63 : i32 to index
      %get3A_64 = tpu.vector_load %arg7[%get3A] {strides = array<i32>} : memref<10016xi32, #tpu.memory_space<vmem>>, vector<16xi32>,
      %slice3A = vector.extract_strided_slice %get3A_64 {offsets = [0], sizes = [1], strides = [1]} : vector<16xi32> to vector<1xi32>
      %squeeze3A = vector.extract %slice3A[0] : i32 from vector<1xi32>
      %mul3A_65 = arith.constant 0 : i32
      %mul3A_66 = vector.broadcast %mul3A_65 : i32 to vector<16xi32>
      %mul3A_67 = arith.muli %iota3A, %mul3A_66 : vector<16xi32>
      %add3A_68 = vector.broadcast %squeeze3A : i32 to vector<16xi32>
      %add3A_69 = arith.addi %mul3A_67, %add3A_68 : vector<16xi32>
      %mul3A_70 = arith.constant 0 : i32
      %mul3A_71 = vector.broadcast %mul3A_70 : i32 to vector<16xi32>
      %mul3A_72 = arith.muli %iota3A, %mul3A_71 : vector<16xi32>
      %add3A_73 = vector.broadcast %while3A_59 : i32 to vector<16xi32>
      %add3A_74 = arith.addi %mul3A_72, %add3A_73 : vector<16xi32>
      %mul3A_75 = arith.constant 384 : i32
      %mul3A_76 = vector.broadcast %mul3A_75 : i32 to vector<16xi32>
      %mul3A_77 = arith.muli %iota3A, %mul3A_76 : vector<16xi32>
      %add3A_78 = arith.addi %mul3A_77, %add3A_74 : vector<16xi32>
      %gather3A = tpu.vector_load_idx %arg6[%add3A_78] : memref<18432xf32, #tpu.memory_space<vmem>>[vector<16xi32>], vector<16xf32>,
      %mul3A_79 = arith.constant 384 : i32
      %mul3A_80 = vector.broadcast %mul3A_79 : i32 to vector<16xi32>
      %mul3A_81 = arith.muli %add3A_22, %mul3A_80 : vector<16xi32>
      %add3A_82 = arith.addi %mul3A_81, %add3A_74 : vector<16xi32>
      %gather3A_83 = tpu.vector_load_idx %arg6[%add3A_82] : memref<18432xf32, #tpu.memory_space<vmem>>[vector<16xi32>], vector<16xf32>,
      %mul3A_84 = arith.constant 384 : i32
      %mul3A_85 = vector.broadcast %mul3A_84 : i32 to vector<16xi32>
      %mul3A_86 = arith.muli %add3A_25, %mul3A_85 : vector<16xi32>
      %add3A_87 = arith.addi %mul3A_86, %add3A_74 : vector<16xi32>
      %gather3A_88 = tpu.vector_load_idx %arg6[%add3A_87] : memref<18432xf32, #tpu.memory_space<vmem>>[vector<16xi32>], vector<16xf32>,
      tpu.vector_store_idx %arg8[%add3A_69, %iota3A], %gather3A {add = true} : memref<66x64xf32, #tpu.memory_space<vmem>>[vector<16xi32>, vector<16xi32>], vector<16xf32>,
      tpu.vector_store_idx %arg8[%add3A_69, %add3A_22], %gather3A_83 {add = true} : memref<66x64xf32, #tpu.memory_space<vmem>>[vector<16xi32>, vector<16xi32>], vector<16xf32>,
      tpu.vector_store_idx %arg8[%add3A_69, %add3A_25], %gather3A_88 {add = true} : memref<66x64xf32, #tpu.memory_space<vmem>>[vector<16xi32>, vector<16xi32>], vector<16xf32>,
      %add3A_89 = arith.constant 48 : i32
      %add3A_90 = vector.broadcast %add3A_89 : i32 to vector<16xi32>
      %add3A_91 = arith.addi %iota3A, %add3A_90 : vector<16xi32>
      tpu.vector_store_idx %arg8[%add3A_69, %add3A_91], %select_n3A {add = true} : memref<66x64xf32, #tpu.memory_space<vmem>>[vector<16xi32>, vector<16xi32>], vector<16xf32>,
      %mul3A_92 = arith.mulf %gather3A, %gather3A : vector<16xf32>
      %add3A_93 = arith.addf %while3A_60, %mul3A_92 : vector<16xf32>
      %mul3A_94 = arith.mulf %gather3A_83, %gather3A_83 : vector<16xf32>
      %add3A_95 = arith.addf %while3A_61, %mul3A_94 : vector<16xf32>
      %mul3A_96 = arith.mulf %gather3A_88, %gather3A_88 : vector<16xf32>
      %add3A_97 = arith.addf %while3A_62, %mul3A_96 : vector<16xf32>
      scf.yield %add3A_93, %add3A_95, %add3A_97 : vector<16xf32>, vector<16xf32>, vector<16xf32>
    }
    %while3A_46 = arith.constant 1 : i32
    %while3A_47:3 = scf.for %while3A_59 = %while3A_43 to %while3A_39 step %while3A_46 iter_args(%while3A_60 = %while3A_45#0, %while3A_61 = %while3A_45#1, %while3A_62 = %while3A_45#2) -> (vector<16xf32>, vector<16xf32>, vector<16xf32>)  : i32 {
      %add3A_63 = arith.addi %mul3A_5, %while3A_59 : i32
      %get3A = arith.index_cast %add3A_63 : i32 to index
      %get3A_64 = tpu.vector_load %arg7[%get3A] {strides = array<i32>} : memref<10016xi32, #tpu.memory_space<vmem>>, vector<16xi32>,
      %slice3A = vector.extract_strided_slice %get3A_64 {offsets = [0], sizes = [1], strides = [1]} : vector<16xi32> to vector<1xi32>
      %squeeze3A = vector.extract %slice3A[0] : i32 from vector<1xi32>
      %mul3A_65 = arith.constant 0 : i32
      %mul3A_66 = vector.broadcast %mul3A_65 : i32 to vector<16xi32>
      %mul3A_67 = arith.muli %iota3A, %mul3A_66 : vector<16xi32>
      %add3A_68 = vector.broadcast %squeeze3A : i32 to vector<16xi32>
      %add3A_69 = arith.addi %mul3A_67, %add3A_68 : vector<16xi32>
      %mul3A_70 = arith.constant 0 : i32
      %mul3A_71 = vector.broadcast %mul3A_70 : i32 to vector<16xi32>
      %mul3A_72 = arith.muli %iota3A, %mul3A_71 : vector<16xi32>
      %add3A_73 = vector.broadcast %while3A_59 : i32 to vector<16xi32>
      %add3A_74 = arith.addi %mul3A_72, %add3A_73 : vector<16xi32>
      %mul3A_75 = arith.constant 384 : i32
      %mul3A_76 = vector.broadcast %mul3A_75 : i32 to vector<16xi32>
      %mul3A_77 = arith.muli %iota3A, %mul3A_76 : vector<16xi32>
      %add3A_78 = arith.addi %mul3A_77, %add3A_74 : vector<16xi32>
      %gather3A = tpu.vector_load_idx %arg6[%add3A_78] : memref<18432xf32, #tpu.memory_space<vmem>>[vector<16xi32>], vector<16xf32>,
      %mul3A_79 = arith.constant 384 : i32
      %mul3A_80 = vector.broadcast %mul3A_79 : i32 to vector<16xi32>
      %mul3A_81 = arith.muli %add3A_22, %mul3A_80 : vector<16xi32>
      %add3A_82 = arith.addi %mul3A_81, %add3A_74 : vector<16xi32>
      %gather3A_83 = tpu.vector_load_idx %arg6[%add3A_82] : memref<18432xf32, #tpu.memory_space<vmem>>[vector<16xi32>], vector<16xf32>,
      %mul3A_84 = arith.constant 384 : i32
      %mul3A_85 = vector.broadcast %mul3A_84 : i32 to vector<16xi32>
      %mul3A_86 = arith.muli %add3A_25, %mul3A_85 : vector<16xi32>
      %add3A_87 = arith.addi %mul3A_86, %add3A_74 : vector<16xi32>
      %gather3A_88 = tpu.vector_load_idx %arg6[%add3A_87] : memref<18432xf32, #tpu.memory_space<vmem>>[vector<16xi32>], vector<16xf32>,
      tpu.vector_store_idx %arg8[%add3A_69, %iota3A], %gather3A {add = true} : memref<66x64xf32, #tpu.memory_space<vmem>>[vector<16xi32>, vector<16xi32>], vector<16xf32>,
      tpu.vector_store_idx %arg8[%add3A_69, %add3A_22], %gather3A_83 {add = true} : memref<66x64xf32, #tpu.memory_space<vmem>>[vector<16xi32>, vector<16xi32>], vector<16xf32>,
      tpu.vector_store_idx %arg8[%add3A_69, %add3A_25], %gather3A_88 {add = true} : memref<66x64xf32, #tpu.memory_space<vmem>>[vector<16xi32>, vector<16xi32>], vector<16xf32>,
      %add3A_89 = arith.constant 48 : i32
      %add3A_90 = vector.broadcast %add3A_89 : i32 to vector<16xi32>
      %add3A_91 = arith.addi %iota3A, %add3A_90 : vector<16xi32>
      tpu.vector_store_idx %arg8[%add3A_69, %add3A_91], %select_n3A {add = true} : memref<66x64xf32, #tpu.memory_space<vmem>>[vector<16xi32>, vector<16xi32>], vector<16xf32>,
      %mul3A_92 = arith.mulf %gather3A, %gather3A : vector<16xf32>
      %add3A_93 = arith.addf %while3A_60, %mul3A_92 : vector<16xf32>
      %mul3A_94 = arith.mulf %gather3A_83, %gather3A_83 : vector<16xf32>
      %add3A_95 = arith.addf %while3A_61, %mul3A_94 : vector<16xf32>
      %mul3A_96 = arith.mulf %gather3A_88, %gather3A_88 : vector<16xf32>
      %add3A_97 = arith.addf %while3A_62, %mul3A_96 : vector<16xf32>
      scf.yield %add3A_93, %add3A_95, %add3A_97 : vector<16xf32>, vector<16xf32>, vector<16xf32>
    }
    %swap3A = arith.constant 65 : i32
    %swap3A_48 = arith.index_cast %swap3A : i32 to index
    %swap3A_49 = arith.constant 0 : index
    %swap3A_50 = tpu.vector_load %arg8[%swap3A_48, %swap3A_49] {strides = array<i32>} : memref<66x64xf32, #tpu.memory_space<vmem>>, vector<16xf32>,
    tpu.vector_store %arg8[%swap3A_48, %swap3A_49], %while3A_47#0 {strides = array<i32>} : memref<66x64xf32, #tpu.memory_space<vmem>>, vector<16xf32>,
    %swap3A_51 = arith.constant 65 : i32
    %swap3A_52 = arith.index_cast %swap3A_51 : i32 to index
    %swap3A_53 = arith.constant 16 : index
    %swap3A_54 = tpu.vector_load %arg8[%swap3A_52, %swap3A_53] {strides = array<i32>} : memref<66x64xf32, #tpu.memory_space<vmem>>, vector<16xf32>,
    tpu.vector_store %arg8[%swap3A_52, %swap3A_53], %while3A_47#1 {strides = array<i32>} : memref<66x64xf32, #tpu.memory_space<vmem>>, vector<16xf32>,
    %swap3A_55 = arith.constant 65 : i32
    %swap3A_56 = arith.index_cast %swap3A_55 : i32 to index
    %swap3A_57 = arith.constant 32 : index
    %swap3A_58 = tpu.vector_load %arg8[%swap3A_56, %swap3A_57] {strides = array<i32>} : memref<66x64xf32, #tpu.memory_space<vmem>>, vector<16xf32>,
    tpu.vector_store %arg8[%swap3A_56, %swap3A_57], %while3A_47#2 {strides = array<i32>} : memref<66x64xf32, #tpu.memory_space<vmem>>, vector<16xf32>,
    "tpu.region"() ({
      %run_scoped3A = tpu.sem_alloc : memref<!tpu.dma_semaphore, #tpu.memory_space<semaphore_mem>>
      %dma_start3A = arith.constant 0 : i32
      %dma_start3A_59 = arith.constant 0 : i32
      %dma_start3A_60 = tpu.memref_slice %arg4[%add3A, %dma_start3A, %dma_start3A_59] : memref<32x66x64xf32, #tpu.memory_space<hbm>> -> memref<1x66x64xf32, #tpu.memory_space<hbm>>
      %dma_start3A_61 = tpu.memref_squeeze %dma_start3A_60 : memref<1x66x64xf32, #tpu.memory_space<hbm>> -> memref<66x64xf32, #tpu.memory_space<hbm>>
      %dma_start3A_62 = arith.constant 0 : i32
      %dma_start3A_63 = arith.constant 0 : i32
      %dma_start3A_64 = tpu.memref_slice %arg4[%add3A, %dma_start3A_62, %dma_start3A_63] : memref<32x66x64xf32, #tpu.memory_space<hbm>> -> memref<1x66x64xf32, #tpu.memory_space<hbm>>
      %dma_start3A_65 = tpu.memref_squeeze %dma_start3A_64 : memref<1x66x64xf32, #tpu.memory_space<hbm>> -> memref<66x64xf32, #tpu.memory_space<hbm>>
      tpu.enqueue_dma source(%arg8 : memref<66x64xf32, #tpu.memory_space<vmem>>) target(%dma_start3A_65 : memref<66x64xf32, #tpu.memory_space<hbm>>) target_semaphore(%run_scoped3A : memref<!tpu.dma_semaphore, #tpu.memory_space<semaphore_mem>>)
      %dma_wait3A = arith.constant 0 : i32
      %dma_wait3A_66 = arith.constant 0 : i32
      %dma_wait3A_67 = tpu.memref_slice %arg4[%add3A, %dma_wait3A, %dma_wait3A_66] : memref<32x66x64xf32, #tpu.memory_space<hbm>> -> memref<1x66x64xf32, #tpu.memory_space<hbm>>
      %dma_wait3A_68 = tpu.memref_squeeze %dma_wait3A_67 : memref<1x66x64xf32, #tpu.memory_space<hbm>> -> memref<66x64xf32, #tpu.memory_space<hbm>>
      %dma_wait3A_69 = arith.constant 0 : i32
      %dma_wait3A_70 = arith.constant 0 : i32
      %dma_wait3A_71 = tpu.memref_slice %arg4[%add3A, %dma_wait3A_69, %dma_wait3A_70] : memref<32x66x64xf32, #tpu.memory_space<hbm>> -> memref<1x66x64xf32, #tpu.memory_space<hbm>>
      %dma_wait3A_72 = tpu.memref_squeeze %dma_wait3A_71 : memref<1x66x64xf32, #tpu.memory_space<hbm>> -> memref<66x64xf32, #tpu.memory_space<hbm>>
      tpu.wait_dma2 semaphore(%run_scoped3A : memref<!tpu.dma_semaphore, #tpu.memory_space<semaphore_mem>>) src(%arg8 : memref<66x64xf32, #tpu.memory_space<vmem>>) dst(%dma_wait3A_72 : memref<66x64xf32, #tpu.memory_space<hbm>>)
      tpu.yield
    }) : () -> ()
    return
  }
}

module attributes {stable_mosaic.version = 14 : i64} {
  func.func @_tc_final_body(%arg0: memref<32x66x64xf32, #tpu.memory_space<vmem>>, %arg1: memref<48xf32, #tpu.memory_space<vmem>>, %arg2: memref<48xf32, #tpu.memory_space<vmem>>, %arg3: memref<48x128xf32, #tpu.memory_space<vmem>>, %arg4: memref<128xf32, #tpu.memory_space<vmem>>, %arg5: memref<128x128xf32, #tpu.memory_space<vmem>>, %arg6: memref<128xf32, #tpu.memory_space<vmem>>, %arg7: memref<128x128xf32, #tpu.memory_space<vmem>>, %arg8: memref<128xf32, #tpu.memory_space<vmem>>, %arg9: memref<128x128xf32, #tpu.memory_space<vmem>>, %arg10: memref<128xf32, #tpu.memory_space<vmem>>, %arg11: memref<1x128xf32, #tpu.memory_space<vmem>>, %arg12: memref<1xf32, #tpu.memory_space<vmem>>, %arg13: memref<1x64xf32, #tpu.memory_space<vmem>>) attributes {dimension_semantics = [], scalar_prefetch = 0 : i64, scratch_operands = 0 : i64, tpu.core_type = #tpu.core_type<tc>} {
    %get3A = arith.constant 0 : index
    %get3A_0 = arith.constant 0 : index
    %get3A_1 = arith.constant 0 : index
    %get3A_2 = vector.load %arg0[%get3A, %get3A_0, %get3A_1] : memref<32x66x64xf32, #tpu.memory_space<vmem>>, vector<32x66x64xf32>
    %reduce_sum3A = arith.constant dense<0.000000e+00> : vector<66x64xf32>
    %reduce_sum3A_3 = vector.multi_reduction <add>, %get3A_2, %reduce_sum3A [0] : vector<32x66x64xf32> to vector<66x64xf32>
    %slice3A = vector.extract_strided_slice %reduce_sum3A_3 {offsets = [0, 0], sizes = [64, 48], strides = [1, 1]} : vector<66x64xf32> to vector<64x48xf32>
    %slice3A_4 = vector.extract_strided_slice %reduce_sum3A_3 {offsets = [0, 48], sizes = [64, 1], strides = [1, 1]} : vector<66x64xf32> to vector<64x1xf32>
    %slice3A_5 = vector.extract_strided_slice %reduce_sum3A_3 {offsets = [65, 0], sizes = [1, 48], strides = [1, 1]} : vector<66x64xf32> to vector<1x48xf32>
    %reduce_sum3A_6 = arith.constant dense<0.000000e+00> : vector<48xf32>
    %reduce_sum3A_7 = vector.multi_reduction <add>, %slice3A, %reduce_sum3A_6 [0] : vector<64x48xf32> to vector<48xf32>
    %broadcast_in_dim3A = vector.shape_cast %reduce_sum3A_7 : vector<48xf32> to vector<1x48xf32>
    %div3A = arith.constant 1.000000e+04 : f32
    %div3A_8 = vector.broadcast %div3A : f32 to vector<1x48xf32>
    %div3A_9 = arith.divf %broadcast_in_dim3A, %div3A_8 : vector<1x48xf32>
    %div3A_10 = arith.constant 1.000000e+04 : f32
    %div3A_11 = vector.broadcast %div3A_10 : f32 to vector<1x48xf32>
    %div3A_12 = arith.divf %slice3A_5, %div3A_11 : vector<1x48xf32>
    %mul3A = arith.mulf %div3A_9, %div3A_9 : vector<1x48xf32>
    %sub3A = arith.subf %div3A_12, %mul3A : vector<1x48xf32>
    %add3A = arith.constant 9.99999974E-6 : f32
    %add3A_13 = vector.broadcast %add3A : f32 to vector<1x48xf32>
    %add3A_14 = arith.addf %sub3A, %add3A_13 : vector<1x48xf32>
    %rsqrt3A = math.rsqrt %add3A_14 : vector<1x48xf32>
    %get3A_15 = arith.constant 0 : index
    %get3A_16 = vector.load %arg1[%get3A_15] : memref<48xf32, #tpu.memory_space<vmem>>, vector<48xf32>
    %get3A_17 = arith.constant 0 : index
    %get3A_18 = vector.load %arg2[%get3A_17] : memref<48xf32, #tpu.memory_space<vmem>>, vector<48xf32>
    %mul3A_19 = vector.broadcast %slice3A_4 : vector<64x1xf32> to vector<64x48xf32>
    %mul3A_20 = vector.broadcast %div3A_9 : vector<1x48xf32> to vector<64x48xf32>
    %mul3A_21 = arith.mulf %mul3A_19, %mul3A_20 : vector<64x48xf32>
    %sub3A_22 = arith.subf %slice3A, %mul3A_21 : vector<64x48xf32>
    %broadcast_in_dim3A_23 = vector.shape_cast %get3A_16 : vector<48xf32> to vector<1x48xf32>
    %mul3A_24 = arith.mulf %rsqrt3A, %broadcast_in_dim3A_23 : vector<1x48xf32>
    %mul3A_25 = vector.broadcast %mul3A_24 : vector<1x48xf32> to vector<64x48xf32>
    %mul3A_26 = arith.mulf %sub3A_22, %mul3A_25 : vector<64x48xf32>
    %broadcast_in_dim3A_27 = vector.shape_cast %get3A_18 : vector<48xf32> to vector<1x48xf32>
    %mul3A_28 = vector.broadcast %slice3A_4 : vector<64x1xf32> to vector<64x48xf32>
    %mul3A_29 = vector.broadcast %broadcast_in_dim3A_27 : vector<1x48xf32> to vector<64x48xf32>
    %mul3A_30 = arith.mulf %mul3A_28, %mul3A_29 : vector<64x48xf32>
    %add3A_31 = arith.addf %mul3A_26, %mul3A_30 : vector<64x48xf32>
    %max3A = arith.constant 1.000000e+00 : f32
    %max3A_32 = vector.broadcast %max3A : f32 to vector<64x1xf32>
    %max3A_33 = arith.maximumf %slice3A_4, %max3A_32 : vector<64x1xf32>
    %div3A_34 = vector.broadcast %max3A_33 : vector<64x1xf32> to vector<64x48xf32>
    %div3A_35 = arith.divf %add3A_31, %div3A_34 : vector<64x48xf32>
    %get3A_36 = arith.constant 0 : index
    %get3A_37 = arith.constant 0 : index
    %get3A_38 = vector.load %arg3[%get3A_36, %get3A_37] : memref<48x128xf32, #tpu.memory_space<vmem>>, vector<48x128xf32>
    %dot_general3A = arith.constant dense<0.000000e+00> : vector<64x128xf32>
    %dot_general3A_39 = tpu.matmul %div3A_35, %get3A_38, %dot_general3A {dimension_numbers = #tpu.dot_dimension_numbers<[1], [0], [0], [1], [0, 0, 1, 1], [], []>, transpose_lhs_hint = false} : vector<64x48xf32>, vector<48x128xf32>, vector<64x128xf32> -> vector<64x128xf32>
    %get3A_40 = arith.constant 0 : index
    %get3A_41 = vector.load %arg4[%get3A_40] : memref<128xf32, #tpu.memory_space<vmem>>, vector<128xf32>
    %broadcast_in_dim3A_42 = vector.shape_cast %get3A_41 : vector<128xf32> to vector<1x128xf32>
    %add3A_43 = vector.broadcast %broadcast_in_dim3A_42 : vector<1x128xf32> to vector<64x128xf32>
    %add3A_44 = arith.addf %dot_general3A_39, %add3A_43 : vector<64x128xf32>
    %max3A_45 = arith.constant 0.000000e+00 : f32
    %max3A_46 = vector.broadcast %max3A_45 : f32 to vector<64x128xf32>
    %max3A_47 = arith.maximumf %add3A_44, %max3A_46 : vector<64x128xf32>
    %get3A_48 = arith.constant 0 : index
    %get3A_49 = arith.constant 0 : index
    %get3A_50 = vector.load %arg5[%get3A_48, %get3A_49] : memref<128x128xf32, #tpu.memory_space<vmem>>, vector<128x128xf32>
    %dot_general3A_51 = arith.constant dense<0.000000e+00> : vector<64x128xf32>
    %dot_general3A_52 = tpu.matmul %max3A_47, %get3A_50, %dot_general3A_51 {dimension_numbers = #tpu.dot_dimension_numbers<[1], [0], [0], [1], [0, 0, 1, 1], [], []>, transpose_lhs_hint = false} : vector<64x128xf32>, vector<128x128xf32>, vector<64x128xf32> -> vector<64x128xf32>
    %get3A_53 = arith.constant 0 : index
    %get3A_54 = vector.load %arg6[%get3A_53] : memref<128xf32, #tpu.memory_space<vmem>>, vector<128xf32>
    %broadcast_in_dim3A_55 = vector.shape_cast %get3A_54 : vector<128xf32> to vector<1x128xf32>
    %add3A_56 = vector.broadcast %broadcast_in_dim3A_55 : vector<1x128xf32> to vector<64x128xf32>
    %add3A_57 = arith.addf %dot_general3A_52, %add3A_56 : vector<64x128xf32>
    %max3A_58 = arith.constant 0.000000e+00 : f32
    %max3A_59 = vector.broadcast %max3A_58 : f32 to vector<64x128xf32>
    %max3A_60 = arith.maximumf %add3A_57, %max3A_59 : vector<64x128xf32>
    %get3A_61 = arith.constant 0 : index
    %get3A_62 = arith.constant 0 : index
    %get3A_63 = vector.load %arg7[%get3A_61, %get3A_62] : memref<128x128xf32, #tpu.memory_space<vmem>>, vector<128x128xf32>
    %dot_general3A_64 = arith.constant dense<0.000000e+00> : vector<64x128xf32>
    %dot_general3A_65 = tpu.matmul %max3A_60, %get3A_63, %dot_general3A_64 {dimension_numbers = #tpu.dot_dimension_numbers<[1], [0], [0], [1], [0, 0, 1, 1], [], []>, transpose_lhs_hint = false} : vector<64x128xf32>, vector<128x128xf32>, vector<64x128xf32> -> vector<64x128xf32>
    %get3A_66 = arith.constant 0 : index
    %get3A_67 = vector.load %arg8[%get3A_66] : memref<128xf32, #tpu.memory_space<vmem>>, vector<128xf32>
    %broadcast_in_dim3A_68 = vector.shape_cast %get3A_67 : vector<128xf32> to vector<1x128xf32>
    %add3A_69 = vector.broadcast %broadcast_in_dim3A_68 : vector<1x128xf32> to vector<64x128xf32>
    %add3A_70 = arith.addf %dot_general3A_65, %add3A_69 : vector<64x128xf32>
    %max3A_71 = arith.constant 0.000000e+00 : f32
    %max3A_72 = vector.broadcast %max3A_71 : f32 to vector<64x128xf32>
    %max3A_73 = arith.maximumf %add3A_70, %max3A_72 : vector<64x128xf32>
    %get3A_74 = arith.constant 0 : index
    %get3A_75 = arith.constant 0 : index
    %get3A_76 = vector.load %arg9[%get3A_74, %get3A_75] : memref<128x128xf32, #tpu.memory_space<vmem>>, vector<128x128xf32>
    %dot_general3A_77 = arith.constant dense<0.000000e+00> : vector<64x128xf32>
    %dot_general3A_78 = tpu.matmul %max3A_73, %get3A_76, %dot_general3A_77 {dimension_numbers = #tpu.dot_dimension_numbers<[1], [0], [0], [1], [0, 0, 1, 1], [], []>, transpose_lhs_hint = false} : vector<64x128xf32>, vector<128x128xf32>, vector<64x128xf32> -> vector<64x128xf32>
    %get3A_79 = arith.constant 0 : index
    %get3A_80 = vector.load %arg10[%get3A_79] : memref<128xf32, #tpu.memory_space<vmem>>, vector<128xf32>
    %broadcast_in_dim3A_81 = vector.shape_cast %get3A_80 : vector<128xf32> to vector<1x128xf32>
    %add3A_82 = vector.broadcast %broadcast_in_dim3A_81 : vector<1x128xf32> to vector<64x128xf32>
    %add3A_83 = arith.addf %dot_general3A_78, %add3A_82 : vector<64x128xf32>
    %get3A_84 = arith.constant 0 : index
    %get3A_85 = arith.constant 0 : index
    %get3A_86 = vector.load %arg11[%get3A_84, %get3A_85] : memref<1x128xf32, #tpu.memory_space<vmem>>, vector<1x128xf32>
    %dot_general3A_87 = arith.constant dense<0.000000e+00> : vector<64x1xf32>
    %dot_general3A_88 = tpu.matmul %add3A_83, %get3A_86, %dot_general3A_87 {dimension_numbers = #tpu.dot_dimension_numbers<[1], [1], [0], [0], [0, 0, 1, 0], [], []>, transpose_lhs_hint = false} : vector<64x128xf32>, vector<1x128xf32>, vector<64x1xf32> -> vector<64x1xf32>
    %reshape3A = vector.shape_cast %dot_general3A_88 : vector<64x1xf32> to vector<1x64xf32>
    %get3A_89 = arith.constant 0 : index
    %get3A_90 = vector.load %arg12[%get3A_89] : memref<1xf32, #tpu.memory_space<vmem>>, vector<1xf32>
    %broadcast_in_dim3A_91 = vector.shape_cast %get3A_90 : vector<1xf32> to vector<1x1xf32>
    %add3A_92 = vector.broadcast %broadcast_in_dim3A_91 : vector<1x1xf32> to vector<1x64xf32>
    %add3A_93 = arith.addf %reshape3A, %add3A_92 : vector<1x64xf32>
    %swap3A = arith.constant 0 : index
    %swap3A_94 = arith.constant 0 : index
    %swap3A_95 = vector.load %arg13[%swap3A, %swap3A_94] : memref<1x64xf32, #tpu.memory_space<vmem>>, vector<1x64xf32>
    tpu.vector_store %arg13[%swap3A, %swap3A_94], %add3A_93 {strides = array<i32>} : memref<1x64xf32, #tpu.memory_space<vmem>>, vector<1x64xf32>,
    return
  }
}

</mosaic_0001>

<sc_bundles>
// kernel: _fused.4.cloned.1.call-start
scs
__scs_entry_jumppad:
0x0: {  	(pc) =	sbr.rel $0x88, $3  }
0x1: {  	(tag) =	ssettag $0x0;
	lr =	simm.s32 $0x1  }
0x2: {  	[smem:$0x3F93] =	sst lr;
	_ =	strace $0xD0000000  }
0x3: {  	_ = 	snop  }
0x4: {  	_ = 	snop  }
0x5: {  	_ = 	snop  }
0x6: {  	_ = 	snop  }
0x7: {  	_ = 	snop  }
__scs_overlays_trampoline_lowered:
0x8: {  	[smem:$0x3FA2] =	sst s0  }
0x9: {  	[smem:$0x3FA3] =	sst s1  }
0xa: {  	[smem:$0x3FA4] =	sst s2  }
0xb: {  	[smem:$0x3FA5] =	sst s3  }
0xc: {  	[smem:$0x3FA6] =	sst s4  }
0xd: {  	[smem:$0x3FA7] =	sst s5  }
0xe: {  	[smem:$0x3FA8] =	sst s6  }
0xf: {  	[smem:$0x3FA9] =	sst s7  }
0x10: {  	[smem:$0x3FAA] =	sst s8  }
0x11: {  	[smem:$0x3FAB] =	sst s9;
	s0 =	simm.s32 @!p0 $0x0  }
0x12: {  	s1 =	sld [smem:$0x3F91];
	s0 =	simm.s32 @p0 $0x1  }
0x13: {  	[smem:$0x3FAC] =	sst s0;
	s0 =	simm.s32 @!p1 $0x0  }
0x14: {  	s2 =	sld [smem:$0x3F90];
	s0 =	simm.s32 @p1 $0x1  }
0x15: {  	[smem:$0x3FAD] =	sst s0;
	s0 =	simm.s32 @!p2 $0x0  }
0x16: {  	s3 =	sld [smem:$0x3FDB];
	s0 =	simm.s32 @p2 $0x1  }
0x17: {  	s4 =	simm.s32 $0x1BF5;
	[smem:$0x3FAF] =	sst s0  }
0x18: {  	s0 =	sld [smem:$0x3F92];
	_ =	swait.ge [sflag:s4], $0x0  }
0x19: {  	s7 =	sld [smem:$0x3F93]  }
0x1a: {  	s8 =	sadd.s32 $0xFFFFE003, lr  }
0x1b: {  	s9 =	sadd.s32 $0xFFFFFEF7, lr;
	s5 =	simm.s32 $0xFFFFFFFF;
	p2 =	slt.u32 s8, $0xFFFFF086  }
0x1c: {  	p1 =	slt.u32 s9, $0xF7A;
	s5 =	simm.s32 @!p2 $0x0  }
0x1d: {  	s5 =	simm.s32 @p1 $0x1;
	p0 =	seq.s32 s7, s2  }
0x1e: {  	s7 =	smul.u32 @!p0 $0xF7A, s2;
	p2 =	seq.s32 @!p0 s5, $0x0  }
0x1f: {  	s9 =	smul.u32 $0xF7A, s1;
	s8 =	simm.s32 @!p0 $0x1BF5;
	p2 =	por !p2, p0  }
0x20: {  	[sflag:s8] =	ssyncset.s32 @!p0 $0xFFFFF086;
	s6 =	sadd.s32 @!p0 s3, s7;
	s7 =	simm.s32 @!p0 $0x108  }
0x21: {  	s3 =	sadd.s32 s3, s9;
	s6 =	sadd.s32 @!p0 $0x88, s6;
	s7 =	simm.s32 @p2 $0x1082  }
0x22: {  	[simem:s7], [sflag:s8] =	dma.local @!p0 [hbm:s6], $0xF7A  }
0x23: {  	s9 =	sor.u32 $0xD0000000, s2;
	s6 =	simm.s32 $0x108;
	_ =	swait.ge @!p0 [sflag:s8], $0x0  }
0x24: {  	s3 =	sadd.s32 $0x88, s3;
	s6 =	simm.s32 @!p1 $0x1082;
	[sflag:s4] =	ssyncset.s32 $0xFFFFF086  }
0x25: {  	[simem:s6], [sflag:s4] =	dma.local [hbm:s3], $0xF7A  }
0x26: {  	[smem:$0x3F93] =	sst s1;
	(tag) =	ssettag s2;
	_ =	strace s9  }
0x27: {  	s1 =	sld [smem:$0x3FA3]  }
0x28: {  	s2 =	sld [smem:$0x3FA4]  }
0x29: {  	s4 =	sld [smem:$0x3FA6]  }
0x2a: {  	p0 =	seq.s32 s5, $0x0;
	s5 =	sld [smem:$0x3FA7]  }
0x2b: {  	s6 =	sld [smem:$0x3FA8]  }
0x2c: {  	s7 =	sld [smem:$0x3FA9]  }
0x2d: {  	s3 =	simm.s32 $0x108;
	s8 =	sld [smem:$0x3FAA]  }
0x2e: {  	s3 =	simm.s32 @!p0 $0x1082;
	s9 =	sld [smem:$0x3FAB]  }
0x2f: {  	lr =	sadd.s32 s0, s3;
	s0 =	sld [smem:$0x3FA2]  }
0x30: {  	s3 =	sld [smem:$0x3FA5]  }
0x31: {  	[smem:$0x3FAE] =	sst s10  }
0x32: {  	s10 =	sld [smem:$0x3FAC];
	_ =	sdelay $0x3  }
0x33: {  	p0 =	seq.s32 s10, $0x1;
	s10 =	sld [smem:$0x3FAE];
	_ =	sdelay $0x3  }
0x34: {  	[smem:$0x3FAE] =	sst s10  }
0x35: {  	s10 =	sld [smem:$0x3FAD];
	_ =	sdelay $0x3  }
0x36: {  	p1 =	seq.s32 s10, $0x1;
	s10 =	sld [smem:$0x3FAE];
	_ =	sdelay $0x3  }
0x37: {  	[smem:$0x3FAE] =	sst s10  }
0x38: {  	s10 =	sld [smem:$0x3FAF]  }
0x39: {  	_ = 	snop;
	(pc) =	sbr.ind lr, $3  }
0x3a: {  	_ = 	snop  }
0x3b: {  	_ = 	snop  }
0x3c: {  	p2 =	seq.s32 s10, $0x1;
	s10 =	sld [smem:$0x3FAE]  }
0x3d: {  	_ =	shalt  }
0x3e: {  	_ =	shalt  }
0x3f: {  	_ =	shalt  }
0x40: {  	_ =	shalt  }
0x41: {  	_ =	shalt  }
0x42: {  	_ =	shalt  }
0x43: {  	_ =	shalt  }
0x44: {  	_ =	shalt  }
0x45: {  	_ =	shalt  }
0x46: {  	_ =	shalt  }
0x47: {  	_ =	shalt  }
0x48: {  	_ =	shalt  }
0x49: {  	_ =	shalt  }
0x4a: {  	_ =	shalt  }
0x4b: {  	_ =	shalt  }
0x4c: {  	_ =	shalt  }
0x4d: {  	_ =	shalt  }
0x4e: {  	_ =	shalt  }
0x4f: {  	_ =	shalt  }
0x50: {  	_ =	shalt  }
0x51: {  	_ =	shalt  }
0x52: {  	_ =	shalt  }
0x53: {  	_ =	shalt  }
0x54: {  	_ =	shalt  }
0x55: {  	_ =	shalt  }
0x56: {  	_ =	shalt  }
0x57: {  	_ =	shalt  }
0x58: {  	_ =	shalt  }
0x59: {  	_ =	shalt  }
0x5a: {  	_ =	shalt  }
0x5b: {  	_ =	shalt  }
0x5c: {  	_ =	shalt  }
0x5d: {  	_ =	shalt  }
0x5e: {  	_ =	shalt  }
0x5f: {  	_ =	shalt  }
0x60: {  	_ =	shalt  }
0x61: {  	_ =	shalt  }
0x62: {  	_ =	shalt  }
0x63: {  	_ =	shalt  }
0x64: {  	_ =	shalt  }
0x65: {  	_ =	shalt  }
0x66: {  	_ =	shalt  }
0x67: {  	_ =	shalt  }
0x68: {  	_ =	shalt  }
0x69: {  	_ =	shalt  }
0x6a: {  	_ =	shalt  }
0x6b: {  	_ =	shalt  }
0x6c: {  	_ =	shalt  }
0x6d: {  	_ =	shalt  }
0x6e: {  	_ =	shalt  }
0x6f: {  	_ =	shalt  }
0x70: {  	_ =	shalt  }
0x71: {  	_ =	shalt  }
0x72: {  	_ =	shalt  }
0x73: {  	_ =	shalt  }
0x74: {  	_ =	shalt  }
0x75: {  	_ =	shalt  }
0x76: {  	_ =	shalt  }
0x77: {  	_ =	shalt  }
0x78: {  	_ =	shalt  }
0x79: {  	_ =	shalt  }
0x7a: {  	_ =	shalt  }
0x7b: {  	_ =	shalt  }
0x7c: {  	_ =	shalt  }
0x7d: {  	_ =	shalt  }
0x7e: {  	_ =	shalt  }
0x7f: {  	_ =	shalt  }
0x80: {  	_ =	shalt  }
0x81: {  	_ =	shalt  }
0x82: {  	_ =	shalt  }
0x83: {  	_ =	shalt  }
0x84: {  	_ =	shalt  }
0x85: {  	_ =	shalt  }
0x86: {  	_ =	shalt  }
0x87: {  	_ =	shalt  }
.Lfunc_end0:
.L_simem_size_0:
called_computation_lowered:
.L_overlay_start_0:
0x88: {  	s2 =	sld [smem:$0x3FD9]  }
0x89: {  	s3 =	sld [smem:$0x3FFE];
	_ =	sdelay $0x1  }
0x8a: {  	s1 =	srdreg.scid  }
0x8b: {  	s0 =	sand.u32 $0x1, s1  }
0x8c: {  	s17 =	sshll.u32 s0, $0xA;
	s2 =	sadd.s32 s3, s2  }
0x8d: {  	s2 =	sadd.s32 s2, s17  }
0x8e: {  	[smem:$0x3FBA] =	sst s2  }
0x8f: {  	_ = 	snop  }
0x90: {  	s2 =	sld [smem:$0x3FC9]  }
0x91: {  	s18 =	sld [smem:$0x3FC8];
	(tm) =	ssettm $0x1  }
0x92: {  	s4 =	sld [smem:$0x3FFB];
	_ =	sdelay $0x3  }
0x93: {  	_ =	strace s4  }
0x94: {  	s4 =	sld [smem:$0x3FFC];
	_ =	sdelay $0x3  }
0x95: {  	_ =	strace s4  }
0x96: {  	s4 =	sld [smem:$0x3FFD];
	_ =	sdelay $0x3  }
0x97: {  	_ =	strace s4  }
0x98: {  	_ =	strace $0x8FFFFFFF  }
0x99: {  	s19 =	sld [smem:$0x3FDB];
	_ =	sdelay $0x1  }
0x9a: {  	s5 =	simm.s32 $_scs_section_size  }
0x9b: {  	s6 =	simm.s32 $_size__tile_overlayer_lowered;
	s7 =	simm.s32 $_tile_overlayer_lowered  }
0x9c: {  	s22 =	simm.s32 $0x1BFF;
	s21 =	sshll.u32 s7, $0x1;
	s4 =	sadd.s32 s5, s19  }
0x9d: {  	s8 =	simm.s32 $0x0;
	s20 =	sshll.u32 s6, $0x1;
	s6 =	sadd.s32 s21, s4  }
0x9e: {  	[timem:s8], [sflag:s22] =	dma.local [hbm:s6], s20  }
0x9f: {  	_ =	swait.ge [sflag:s22], s20  }
0xa0: {  	s5 =	ssub.s32 $0x0, s20;
	[sflag:s22] =	ssyncset.done $0x0  }
0xa1: {  	[sflag:s22] =	ssyncadd.s32 s5;
	_ =	sdelay $0x1  }
0xa2: {  	s23 =	simm.s32 $0x1B8B  }
0xa3: {  	_ =	swait.ge [sflag:s23], $0x1  }
0xa4: {  	[sflag:s23] =	ssyncset.done $0x0  }
0xa5: {  	s25 =	simm.s32 $0x1B8E;
	s24 =	sld [smem:$0x3FFE];
	[sflag:s23] =	ssyncadd.s32 $0xFFFFFFFF  }
0xa6: {  	s26 =	simm.s32 $execute0_lowered;
	[smem:$0x3FD2] =	sst s25  }
0xa7: {  	s6 =	sshll.u32 s26, $0x1;
	_ =	strace $0x80000046;
	[dreg:$0x1] =	wrdreg $0xFFFFFFFF  }
0xa8: {  	s28 =	simm.s32 $_size_execute0_lowered;
	s4 =	sadd.s32 s4, s6;
	[dreg:$0x0] =	wrdreg $0x0  }
0xa9: {  	s6 =	sshll.u32 s28, $0x1;
	[dreg:$0x2] =	wrdreg s4  }
0xaa: {  	[dreg:$0x3] =	wrdreg s6  }
0xab: {  	[dreg:$0x4] =	wrdreg $0xC0  }
0xac: {  	_ =	task [dreg:s8], $0x5FFFF  }
0xad: {  	[dreg:$0x1] =	wrdreg $0xFFFFFFFF  }
0xae: {  	[dreg:$0x0] =	wrdreg $0x60  }
0xaf: {  	[dreg:$0x2] =	wrdreg s2  }
0xb0: {  	[dreg:$0x3] =	wrdreg s18  }
0xb1: {  	[dreg:$0x4] =	wrdreg s24  }
0xb2: {  	[dreg:$0x5] =	wrdreg $0x9  }
0xb3: {  	_ =	task.clear_ibuf [dreg:s8], $0x6FFFF;
	_ =	strace $0x90000046  }
0xb4: {  	s29 =	simm.s32 $0x9;
	_ =	strace $0x80000048  }
0xb5: {  	_ =	swait.ge [sflag:s29], $0x1  }
0xb6: {  	[sflag:s29] =	ssyncadd.s32 $0xFFFFFFFF  }
0xb7: {  	_ =	strace $0x90000048  }
0xb8: {  	_ =	sfence  }
0xb9: {  	s30 =	sld [smem:$0x0];
	_ =	sdelay $0x2  }
0xba: {  	s31 =	sshll.u32 s1, $0xD;
	s1 =	sshrl.u32 s1, $0x2  }
0xbb: {  	s3 =	sand.u32 $0x4000, s31;
	s1 =	sadd.s32 s1, s30  }
0xbc: {  	s0 =	sor.u32 s3, s0;
	s1 =	sshll.u32 s1, $0x11  }
0xbd: {  	s0 =	sor.u32 s1, s0  }
0xbe: {  	s0 =	sadd.s32 $0x8F2B, s0  }
0xbf: {  	[sflag:s0] =	ssyncadd.remote.s32 $0x1  }
0xc0: {  	_ =	sfence.sel $0xFFFF  }
0xc1: {  	[dreg:$0x0] =	wrdreg $0xFFFFFFFF;
	(pc) =	sbr.abs _section_cstart, $3  }
0xc2: {  	[dreg:$0x1] =	wrdreg $0xFFFFFFFF  }
0xc3: {  	_ =	task.clear_ibuf [dreg:s8], $0x2FFFF;
	_ =	strace $0x9FFFFFFF  }
0xc4: {  	(tm) =	ssettm $0x7FFFFFFF  }
0xc5: {  	_ =	shalt  }
tec
execute0_lowered:
.L_overlay_start_1:
0x0: {  	(tag) =	ssettag $0x1  }
0x1: {  	s6 =	rddreg [dreg:$0x0]  }
0x2: {  	s1 =	rddreg [dreg:$0x1]  }
0x3: {  	s4 =	rddreg [dreg:$0x2];
	s2 =	srdreg.scid  }
0x4: {  	s0 =	rddreg [dreg:$0x3];
	s5 =	sand.u32 $0x1, s2  }
0x5: {  	s2 =	stileid.u32;
	s7 =	smul.u32 $0x30, s5  }
0x6: {  	s3 =	simm.s32 $0x0;
	s15 =	simm.s32 $0xB780;
	s9 =	smul.u32 $0x3, s2  }
0x7: {  	s16 =	simm.s32 $0x0;
	s8 =	sshll.u32 s5, $0x4;
	s10 =	smul.u32 $0x1800, s5  }
0x8: {  	[smem:$0x7FF] =	sst s3;
	s23 =	smul.u32 $0x180, s2;
	s8 =	sor.u32 s2, s8  }
0x9: {  	_ =	strace $0x80000047;
	s5 =	ssub.s32 $0x2, s5;
	s11 =	smul.u32 $0x480, s8  }
0xa: {  	s12 =	sshrl.u32 s5, $0x1;
	s7 =	sadd.s32 s9, s7;
	s13 =	smul.u32 $0x3, s8  }
0xb: {  	s9 =	sadd.s32 s23, s10;
	s12 =	ssub.s32 s5, s12;
	s7 =	smin.u32 s7, $0x4C  }
0xc: {  	s8 =	smul.u32 $0x180, s8;
	s10 =	simm.s32 $0xC00;
	s24 =	sshll.u32 s7, $0x7  }
0xd: {  	s11 =	sadd.s32 s11, s4;
	s25 =	smin.u32 s13, $0x4C;
	s7 =	sshll.u32 s7, $0x9  }
0xe: {  	s13 =	simm.s32 $0x9000;
	s4 =	ssub.s32 s9, s24;
	s26 =	sshll.u32 s25, $0x7  }
0xf: {  	s28 =	ssub.s32 $0x2710, s24;
	p0 =	sgt.s32 s4, $0x0;
	s29 =	ssub.s32 $0x2710, s26  }
0x10: {  	s14 =	ssub.s32 s8, s26;
	s6 =	sadd.s32 s6, s26;
	s4 =	simm.s32 @!p0 $0x0  }
0x11: {  	p0 =	sgt.s32 s14, $0x0;
	s8 =	smov.u32 s14;
	s5 =	smin.u32 s4, s28  }
.Ltmp0:
0x12: {  	s4 =	smin.u32 s29, $0x180;
	s5 =	smin.u32 s5, $0x180;
	(pc) =	sbr.rel .LBB2_1-.Ltmp0, $4  }
0x13: {  	v0 =	vlaneseq.u32;
	s8 =	simm.s32 @!p0 $0x0;
	p0 =	slt.s32 s14, s4;
	s30 =	sshll.u32 s5, $0x2  }
0x14: {  	v2 =	vimm.f32 $0.0e+00;
	vm0 =	vcmask $0x300;
	v1 =	vmul.u32 $0x180, v0;
	s14 =	simm.s32 $0x4800;
	s5 =	smin.u32 s4, s8;
	s31 =	sadd.s32 s30, s7  }
0x15: {  	v5 =	vor.u32 $0x10, v0;
	v6 =	vor.u32 $0x20, v0;
	v7 =	vor.u32 $0x30, v0;
	s8 =	smax.u32 s12, $0x1;
	s12 =	simm.s32 $0x1;
	s9 =	sshrl.u32 s31, $0x2  }
0x16: {  	v8 =	vsel vm0, $0x3F800000, v2;
	v3 =	vadd.s32 $0x1800, v1;
	v4 =	vadd.s32 $0x3000, v1;
	s7 =	sadd.s32 $0x1C00, s11;
	s11 =	simm.s32 $0x13C00;
	s9 =	sadd.s32 $0x9000, s9  }
.LBB2_8:
0x17: {  	v11 =	vimm.f32 $0.0e+00;
	v10 =	vimm.f32 $0.0e+00  }
.LBB2_12:
0x18: {  	[tilespmem:$0xD800] =	vst v9;
	s16 =	sadd.s32 $0x1, s16  }
0x19: {  	[tilespmem:$0xD810] =	vst v11;
	p1 =	sne.s32 s16, s8  }
.Ltmp1:
0x1a: {  	[tilespmem:$0xD820] =	vst v10;
	(pc) =	sbr.rel @!p1 .LBB2_13-.Ltmp1, $4  }
0x1b: {  	[hbm4b:s7+s3] =	stream.linear.scatter [tilespmem:s15], [sflag:$0x1], $0x2100, $0x38;
	[tilespmem:$0xDB80] =	vst v63  }
0x1c: {  	_ =	swait.ge [sflag:s12], $0x2100  }
0x1d: {  	[sflag:s12] =	ssyncset.done $0x0  }
0x1e: {  	[sflag:s12] =	ssyncadd.s32 $0xFFFFDF00  }
.LBB2_1:
0x1f: {  	[tilespmem:s3], [sflag:$0x1] =	stream.strided.gather [hbm4b:s6+s10], $0x4800, s11, s10, $0x38;
	[tilespmem:$0xDB80] =	vst v63  }
0x20: {  	_ =	swait.ge [sflag:s12], $0x4800  }
0x21: {  	[sflag:s12] =	ssyncset.done $0x0  }
0x22: {  	[sflag:s12] =	ssyncadd.s32 $0xFFFFB800  }
0x23: {  	[tilespmem:s13], [sflag:$0x1] =	stream.linear.gather [hbm4b:s1+s3], $0x2710, $0x38;
	[tilespmem:$0xDB80] =	vst v63  }
0x24: {  	_ =	swait.ge [sflag:s12], $0x2710  }
0x25: {  	[sflag:s12] =	ssyncset.done $0x0  }
0x26: {  	s17 =	simm.s32 $0x200;
	s18 =	simm.s32 $0x0;
	[sflag:s12] =	ssyncadd.s32 $0xFFFFD8F0  }
.LBB2_2:
0x27: {  	p1 =	seq.s32 s17, $0x8200;
	[tilespmem:s18+$0xB7B0] =	vst v2;
	s19 =	smov.u32 s17;
	s17 =	sadd.s32 $0x200, s17  }
.Ltmp2:
0x28: {  	[tilespmem:s18+$0xB7A0] =	vst v2;
	(pc) =	sbr.rel @!p1 .LBB2_2-.Ltmp2, $3  }
0x29: {  	[tilespmem:s18+$0xB780] =	vst v2  }
0x2a: {  	[tilespmem:s18+$0xB790] =	vst v2;
	_ =	sdelay $0x1  }
0x2b: {  	s18 =	sshra.s32 s19, $0x2  }
0x2c: {  	[tilespmem:s18+$0xB7B0] =	vst v2  }
0x2d: {  	[tilespmem:s18+$0xB7A0] =	vst v2  }
0x2e: {  	[tilespmem:s18+$0xB780] =	vst v2  }
0x2f: {  	s17 =	simm.s32 $0x0;
	[tilespmem:s18+$0xB790] =	vst v2;
	s18 =	simm.s32 $0x0;
	s19 =	simm.s32 $0x0  }
.LBB2_4:
0x30: {  	s20 =	sshrl.u32 s19, $0x3  }
0x31: {  	s20 =	smul.u32 $0x3000, s20  }
0x32: {  	s21 =	sshll.u32 s19, $0x7  }
0x33: {  	s21 =	sand.u32 $0x380, s21;
	s20 =	sshra.s32 s20, $0x2  }
0x34: {  	s22 =	sand.u32 $0xC00, s17;
	s20 =	sor.u32 s21, s20  }
0x35: {  	s21 =	sand.u32 $0x70, s17;
	s22 =	sadd.s32 s22, s20  }
0x36: {  	s23 =	sadd.s32 s21, s22  }
0x37: {  	s24 =	sadd.s32 $0x0, s18;
	v9 =	vld [tilespmem:s23+$0x0]  }
0x38: {  	s24 =	sand.u32 $0xFF80, s24;
	s22 =	simm.s32 $0x10;
	s23 =	simm.s32 $0x80  }
.LBB2_5:
0x39: {  	s25 =	sand.u32 $0xC00, s23;
	p1 =	sne.s32 s22, $0x170  }
0x3a: {  	s26 =	smov.u32 s22;
	s22 =	sadd.s32 $0x10, s22;
	s24 =	sor.u32 s21, s24  }
.Ltmp3:
0x3b: {  	s25 =	sadd.s32 s25, s20;
	s21 =	sand.u32 $0x70, s26;
	(pc) =	sbr.rel @p1 .LBB2_5-.Ltmp3, $4  }
0x3c: {  	s25 =	sadd.s32 s21, s25;
	[tilespmem:s24+$0x4800] =	vst v9  }
0x3d: {  	v9 =	vld [tilespmem:s25+$0x0]  }
0x3e: {  	s24 =	sadd.s32 s26, s18  }
0x3f: {  	s23 =	sadd.s32 $0x80, s23;
	s24 =	sand.u32 $0xFF80, s24  }
0x40: {  	s19 =	sadd.s32 $0x1, s19  }
0x41: {  	p1 =	seq.s32 s19, $0x30  }
.Ltmp4:
0x42: {  	_ = 	snop;
	(pc) =	sbr.rel @!p1 .LBB2_4-.Ltmp4, $3  }
0x43: {  	_ =	sdelay $0x1  }
0x44: {  	s20 =	sor.u32 s21, s24  }
0x45: {  	s18 =	sadd.s32 $0x180, s18;
	[tilespmem:s20+$0x4800] =	vst v9  }
.Ltmp5:
0x46: {  	(pc) =	sbr.rel @!p0 .LBB2_8-.Ltmp5, $2  }
0x47: {  	_ =	sdelay $0x2  }
0x48: {  	v9 =	vimm.f32 $0.0e+00  }
0x49: {  	v10 =	vadd.s32 s5, v4  }
0x4a: {  	v11 =	vadd.s32 s5, v3  }
0x4b: {  	v14 =	vadd.s32 s5, v1;
	_ =	sdelay $0x1  }
0x4c: {  	v15 =	vld [tilespmem:s9+$0x0]  }
0x4d: {  	v12 =	vld.idx.msk [tilespmem:v10+s14+$0x0], $0xffff  }
0x4e: {  	v13 =	vld.idx.msk [tilespmem:v11+s14+$0x0], $0xffff  }
0x4f: {  	v14 =	vld.idx.msk [tilespmem:v14+s14+$0x0], $0xffff;
	_ =	sdelay $0x1  }
0x50: {  	s17 =	sadd.s32 $0x1, s5;
	v10 =	vshll.u32 v15, $0x7  }
0x51: {  	p1 =	slt.u32 s17, s4;
	v18 =	vbroadcast v10, $0x0  }
.Ltmp6:
0x52: {  	v10 =	vmul.f32 v12, v12;
	(pc) =	sbr.rel @!p1 .LBB2_11-.Ltmp6, $4  }
0x53: {  	v15 =	vor.u32 v0, v18;
	v11 =	vmul.f32 v13, v13;
	v19 =	vmul.f32 v14, v14  }
0x54: {  	v16 =	vor.u32 v5, v18;
	v10 =	vadd.f32 v10, v9  }
0x55: {  	v17 =	vor.u32 v6, v18;
	v11 =	vadd.f32 v11, v9;
	v9 =	vadd.f32 v19, v9  }
0x56: {  	s18 =	smov.u32 s9;
	v18 =	vor.u32 v7, v18  }
.LBB2_10:
0x57: {  	_ = 	snop  }
0x58: {  	v19 =	vadd.s32 s17, v4;
	[tilespmem:v15+s15+$0x0] =	vst.idx.add.f32.msk $0xffff, v14  }
0x59: {  	v14 =	vadd.s32 s17, v3;
	[tilespmem:v16+s15+$0x0] =	vst.idx.add.f32.msk $0xffff, v13  }
0x5a: {  	v15 =	vadd.s32 s17, v1;
	[tilespmem:v17+s15+$0x0] =	vst.idx.add.f32.msk $0xffff, v12  }
0x5b: {  	s18 =	sadd.s32 $0x1, s18;
	[tilespmem:v18+s15+$0x0] =	vst.idx.add.f32.msk $0xffff, v8  }
0x5c: {  	v16 =	vld [tilespmem:s18+$0x0]  }
0x5d: {  	v12 =	vld.idx.msk [tilespmem:v19+s14+$0x0], $0xffff  }
0x5e: {  	v13 =	vld.idx.msk [tilespmem:v14+s14+$0x0], $0xffff  }
0x5f: {  	s17 =	sadd.s32 $0x1, s17;
	v14 =	vld.idx.msk [tilespmem:v15+s14+$0x0], $0xffff  }
0x60: {  	p1 =	slt.u32 s17, s4  }
0x61: {  	v15 =	vshll.u32 v16, $0x7  }
0x62: {  	v18 =	vbroadcast v15, $0x0  }
.Ltmp7:
0x63: {  	v17 =	vmul.f32 v12, v12;
	(pc) =	sbr.rel @p1 .LBB2_10-.Ltmp7, $4  }
0x64: {  	v19 =	vmul.f32 v13, v13;
	v15 =	vor.u32 v0, v18  }
0x65: {  	v16 =	vor.u32 v5, v18;
	v20 =	vmul.f32 v14, v14;
	v10 =	vadd.f32 v17, v10  }
0x66: {  	v17 =	vor.u32 v6, v18;
	v11 =	vadd.f32 v19, v11  }
0x67: {  	v18 =	vor.u32 v7, v18;
	v9 =	vadd.f32 v20, v9  }
.LBB2_11:
0x68: {  	_ =	sdelay $0x2  }
.Ltmp8:
0x69: {  	_ = 	snop;
	(pc) =	sbr.rel .LBB2_12-.Ltmp8, $4  }
0x6a: {  	[tilespmem:v15+s15+$0x0] =	vst.idx.add.f32.msk $0xffff, v14  }
0x6b: {  	[tilespmem:v16+s15+$0x0] =	vst.idx.add.f32.msk $0xffff, v13  }
0x6c: {  	[tilespmem:v17+s15+$0x0] =	vst.idx.add.f32.msk $0xffff, v12  }
0x6d: {  	[tilespmem:v18+s15+$0x0] =	vst.idx.add.f32.msk $0xffff, v8  }
.LBB2_13:
0x6e: {  	_ =	sfence.sel $0x180000  }
0x6f: {  	[bflag:$0x0] =	sbarrier.arrive $0xFFFF  }
0x70: {  	p0 =	sne.s32 s2, $0x0;
	_ =	strace $0x90000047  }
0x71: {  	s0 =	sadd.s32 @!p0 $0x100000, s0;
	[bflag:$0x2] =	sbarrier.arrive $0xFFFF  }
0x72: {  	[sflag:s0] =	ssyncadd.tile.s32 @!p0 $0x1;
	_ =	shalt  }
.Lfunc_end2:
_tile_overlayer_lowered:
.L_overlay_start_2:
0x73: {  	(tag) =	ssettag $0x2  }
0x74: {  	s0 =	rddreg [dreg:$0x0];
	s2 =	stileid.u32  }
0x75: {  	s1 =	rddreg [dreg:$0x1];
	p0 =	sne.s32 s2, $0x0  }
0x76: {  	s3 =	rddreg [dreg:$0x2];
	[bflag:$0x3] =	sbarrier.arrive $0xFFFF;
	s2 =	simm.s32 @!p0 $0x1C01  }
0x77: {  	[timem:s3], [sflag:s2] =	dma.local @!p0 [hbm:s0], s1  }
0x78: {  	s0 =	simm.s32 @!p0 $0x1  }
0x79: {  	_ =	swait.ge @!p0 [sflag:s0], s1  }
0x7a: {  	s1 =	ssub.s32 @!p0 $0x0, s1;
	[sflag:s0] =	ssyncset.done @!p0 $0x0  }
0x7b: {  	[sflag:s0] =	ssyncadd.s32 @!p0 s1  }
0x7c: {  	[bflag:$0x3] =	sbarrier.arrive $0xFFFF  }
0x7d: {  	_ =	shalt  }

</sc_bundles>
